<compile_context>
chip_gen: v7x
topology: tpu7x:2x2x1
jax: 0.10.2.dev20260603
libtpu: 0.0.44.dev20260713+nightly
codegen_flags: <defaults>
</compile_context>

<pallas_src>
import functools

import jax
import jax.numpy as jnp
from jax import lax
from jax.experimental import pallas as pl
from jax.experimental.pallas import tpu as pltpu
from jax.experimental.pallas import tpu_sc as plsc

N_ENTITIES = 1000000
N_RELATIONS = 1000
EMBED_DIM = 64
BATCH = 16384
WIDE = 2 * EMBED_DIM

NUM_CORES = 2
NUM_SUBCORES = 16
NUM_WORKERS = NUM_CORES * NUM_SUBCORES
B_PER_W = BATCH // NUM_WORKERS
LANES = 16
CHUNK = 128
N_CHUNKS = B_PER_W // CHUNK
GROUPS_PER_CHUNK = CHUNK // LANES


def _neg_sqrt(x):
    i = lax.bitcast_convert_type(x, jnp.int32)
    i = 0x5F3759DF - lax.shift_right_arithmetic(i, 1)
    y = lax.bitcast_convert_type(i, jnp.float32)
    half_x = 0.5 * x
    y = y * (1.5 - half_x * y * y)
    y = y * (1.5 - half_x * y * y)
    y = y * (1.5 - half_x * y * y)
    return -(x * y)


def _sc_body(h_hbm, t_hbm, r_hbm, ent_hbm, rel_hbm, out_hbm,
             idx_h, idx_t, idx_r, tix_h, tix_t, tix_r,
             rows_h, rows_t, rows_r, out_v, sem):
    wid = lax.axis_index("s") * NUM_CORES + lax.axis_index("c")
    base = wid * B_PER_W

    pltpu.sync_copy(h_hbm.at[pl.ds(base, B_PER_W)], idx_h)
    pltpu.sync_copy(t_hbm.at[pl.ds(base, B_PER_W)], idx_t)
    pltpu.sync_copy(r_hbm.at[pl.ds(base, B_PER_W)], idx_r)

    lane = lax.iota(jnp.int32, LANES)

    def tix_body(g, _):
        sl = pl.ds(g * LANES, LANES)
        tix_h[sl] = lax.shift_right_logical(idx_h[sl], 1)
        tix_t[sl] = lax.shift_right_logical(idx_t[sl], 1)
        tix_r[sl] = lax.shift_right_logical(idx_r[sl], 1)
        return _

    lax.fori_loop(0, B_PER_W // LANES, tix_body, 0)

    def chunk_body(c, _):
        csl = pl.ds(c * CHUNK, CHUNK)
        cp_h = pltpu.async_copy(ent_hbm.at[tix_h.at[csl]], rows_h, sem)
        cp_t = pltpu.async_copy(ent_hbm.at[tix_t.at[csl]], rows_t, sem)
        cp_r = pltpu.async_copy(rel_hbm.at[tix_r.at[csl]], rows_r, sem)
        cp_h.wait()
        cp_t.wait()
        cp_r.wait()

        def group_body(g, _):
            k_vec = g * LANES + lane
            gsl = pl.ds(c * CHUNK + g * LANES, LANES)
            off_h = lax.bitwise_and(idx_h[gsl], 1) * EMBED_DIM
            off_t = lax.bitwise_and(idx_t[gsl], 1) * EMBED_DIM
            off_r = lax.bitwise_and(idx_r[gsl], 1) * EMBED_DIM
            acc = jnp.zeros((LANES,), jnp.float32)

            def dim_body(d, acc):
                vh = plsc.load_gather(rows_h, [k_vec, off_h + d])
                vr = plsc.load_gather(rows_r, [k_vec, off_r + d])
                vt = plsc.load_gather(rows_t, [k_vec, off_t + d])
                df = (vh + vr) - vt
                return acc + df * df

            acc = lax.fori_loop(0, EMBED_DIM, dim_body, acc)
            out_v[gsl] = _neg_sqrt(acc + 1e-12)
            return _

        lax.fori_loop(0, GROUPS_PER_CHUNK, group_body, 0)
        return _

    lax.fori_loop(0, N_CHUNKS, chunk_body, 0)

    pltpu.sync_copy(out_v, out_hbm.at[pl.ds(base, B_PER_W)])


@jax.jit
def _score(h, t, r, entity_emb, relation_emb):
    ent2 = entity_emb.reshape(N_ENTITIES // 2, WIDE)
    rel2 = relation_emb.reshape(N_RELATIONS // 2, WIDE)
    mesh = plsc.VectorSubcoreMesh(core_axis_name="c", subcore_axis_name="s")
    run = functools.partial(
        pl.kernel,
        mesh=mesh,
        compiler_params=pltpu.CompilerParams(needs_layout_passes=False),
        out_type=jax.ShapeDtypeStruct((BATCH,), jnp.float32),
        scratch_types=[
            pltpu.VMEM((B_PER_W,), jnp.int32),
            pltpu.VMEM((B_PER_W,), jnp.int32),
            pltpu.VMEM((B_PER_W,), jnp.int32),
            pltpu.VMEM((B_PER_W,), jnp.int32),
            pltpu.VMEM((B_PER_W,), jnp.int32),
            pltpu.VMEM((B_PER_W,), jnp.int32),
            pltpu.VMEM((CHUNK, WIDE), jnp.float32),
            pltpu.VMEM((CHUNK, WIDE), jnp.float32),
            pltpu.VMEM((CHUNK, WIDE), jnp.float32),
            pltpu.VMEM((B_PER_W,), jnp.float32),
            pltpu.SemaphoreType.DMA,
        ],
    )(_sc_body)
    return run(h, t, r, ent2, rel2)


def kernel(h, t, r, entity_emb, relation_emb):
    return _score(h.astype(jnp.int32), t.astype(jnp.int32),
                  r.astype(jnp.int32), entity_emb, relation_emb)

# --- scband reference (transcript-rebuilt; emitter-appended) ---
"""Pipeline reference for scband-embedding-model-base-4277787427379 (READ-ONLY COPY).

The authoritative reference and input builder live on the scoring server;
editing this copy changes nothing except your own understanding.
"""

import jax, jax.numpy as jnp
import numpy as np

N_ENTITIES = 1000000
N_RELATIONS = 1000
EMBED_DIM = 64
BATCH = 16384

def setup_inputs(seed: int = 0) -> dict:
    key = jax.random.key(seed)
    k1, k2, k3, k4, k5 = jax.random.split(key, 5)
    h = jax.random.randint(k1, (BATCH,), 0, N_ENTITIES, dtype=jnp.int64 if jax.config.read('jax_enable_x64') else jnp.int32)
    t = jax.random.randint(k2, (BATCH,), 0, N_ENTITIES, dtype=h.dtype)
    r = jax.random.randint(k3, (BATCH,), 0, N_RELATIONS, dtype=h.dtype)
    entity_emb = jax.random.normal(k4, (N_ENTITIES, EMBED_DIM), dtype=jnp.float32) * 0.02
    relation_emb = jax.random.normal(k5, (N_RELATIONS, EMBED_DIM), dtype=jnp.float32) * 0.02
    return {"h": h, "t": t, "r": r, "entity_emb": entity_emb, "relation_emb": relation_emb}

def reference(h, t, r, entity_emb, relation_emb):
    # encode: note the original torch code's `normalize` writes into gathered COPIES
    # (advanced indexing returns new tensors), so it has no effect on the weights;
    # faithfully, the lookups below see the unnormalized tables.
    e_h = jnp.take(entity_emb, h, axis=0)
    e_t = jnp.take(entity_emb, t, axis=0)
    e_r = jnp.take(relation_emb, r, axis=0)
    # score: TransE-style scoring (base class leaves `score` abstract; TransE is
    # the canonical subclass implementation): -||e_h + e_r - e_t||_2
    diff = e_h + e_r - e_t
    score = -jnp.sqrt(jnp.sum(diff * diff, axis=-1) + 1e-12)
    return score

if __name__ == "__main__":
    import jax
    _d = setup_inputs()
    print(jax.jit(kernel)(*tuple(_d.values())))

</pallas_src>

<mosaic_0001>
#map = affine_map<(d0, d1) -> (0)>
#map1 = affine_map<(d0, d1) -> (0, 0)>
module attributes {stable_mosaic.version = 14 : i64} {
  func.func @_sc_body(%arg0: i32, %arg1: i32, %arg2: memref<16384xi32, #tpu.memory_space<hbm>>, %arg3: memref<16384xi32, #tpu.memory_space<hbm>>, %arg4: memref<16384xi32, #tpu.memory_space<hbm>>, %arg5: memref<500000x128xf32, #tpu.memory_space<hbm>>, %arg6: memref<500x128xf32, #tpu.memory_space<hbm>>, %arg7: memref<16384xf32, #tpu.memory_space<hbm>>, %arg8: memref<512xi32, #tpu.memory_space<vmem>>, %arg9: memref<512xi32, #tpu.memory_space<vmem>>, %arg10: memref<512xi32, #tpu.memory_space<vmem>>, %arg11: memref<512xi32, #tpu.memory_space<vmem>>, %arg12: memref<512xi32, #tpu.memory_space<vmem>>, %arg13: memref<512xi32, #tpu.memory_space<vmem>>, %arg14: memref<128x128xf32, #tpu.memory_space<vmem>>, %arg15: memref<128x128xf32, #tpu.memory_space<vmem>>, %arg16: memref<128x128xf32, #tpu.memory_space<vmem>>, %arg17: memref<512xf32, #tpu.memory_space<vmem>>, %arg18: memref<!tpu.dma_semaphore, #tpu.memory_space<semaphore_mem>>) attributes {dimension_semantics = [#tpu.dimension_semantics<core_parallel>, #tpu.dimension_semantics<subcore_parallel>], iteration_bounds = array<i64: 2, 16>, scalar_prefetch = 0 : i64, scratch_operands = 11 : i64, tpu.core_type = #tpu.core_type<sc_vector_subcore>, window_params = [{transform_indices = #map}, {transform_indices = #map}, {transform_indices = #map}, {transform_indices = #map1}, {transform_indices = #map1}, {transform_indices = #map}]} {
    %mul3A = arith.constant 2 : i32
    %mul3A_0 = arith.muli %arg1, %mul3A : i32
    %add3A = arith.addi %mul3A_0, %arg0 : i32
    %mul3A_1 = arith.constant 512 : i32
    %mul3A_2 = arith.muli %add3A, %mul3A_1 : i32
    "tpu.region"() ({
      %run_scoped3A = tpu.sem_alloc : memref<!tpu.dma_semaphore, #tpu.memory_space<semaphore_mem>>
      %dma_start3A = tpu.memref_slice %arg2[%mul3A_2] : memref<16384xi32, #tpu.memory_space<hbm>> -> memref<512xi32, #tpu.memory_space<hbm>>
      %dma_start3A_14 = tpu.memref_slice %arg2[%mul3A_2] : memref<16384xi32, #tpu.memory_space<hbm>> -> memref<512xi32, #tpu.memory_space<hbm>>
      tpu.enqueue_dma source(%dma_start3A_14 : memref<512xi32, #tpu.memory_space<hbm>>) target(%arg8 : memref<512xi32, #tpu.memory_space<vmem>>) target_semaphore(%run_scoped3A : memref<!tpu.dma_semaphore, #tpu.memory_space<semaphore_mem>>)
      %dma_wait3A = tpu.memref_slice %arg2[%mul3A_2] : memref<16384xi32, #tpu.memory_space<hbm>> -> memref<512xi32, #tpu.memory_space<hbm>>
      %dma_wait3A_15 = tpu.memref_slice %arg2[%mul3A_2] : memref<16384xi32, #tpu.memory_space<hbm>> -> memref<512xi32, #tpu.memory_space<hbm>>
      tpu.wait_dma2 semaphore(%run_scoped3A : memref<!tpu.dma_semaphore, #tpu.memory_space<semaphore_mem>>) src(%dma_wait3A_15 : memref<512xi32, #tpu.memory_space<hbm>>) dst(%arg8 : memref<512xi32, #tpu.memory_space<vmem>>)
      tpu.yield
    }) : () -> ()
    "tpu.region"() ({
      %run_scoped3A = tpu.sem_alloc : memref<!tpu.dma_semaphore, #tpu.memory_space<semaphore_mem>>
      %dma_start3A = tpu.memref_slice %arg3[%mul3A_2] : memref<16384xi32, #tpu.memory_space<hbm>> -> memref<512xi32, #tpu.memory_space<hbm>>
      %dma_start3A_14 = tpu.memref_slice %arg3[%mul3A_2] : memref<16384xi32, #tpu.memory_space<hbm>> -> memref<512xi32, #tpu.memory_space<hbm>>
      tpu.enqueue_dma source(%dma_start3A_14 : memref<512xi32, #tpu.memory_space<hbm>>) target(%arg9 : memref<512xi32, #tpu.memory_space<vmem>>) target_semaphore(%run_scoped3A : memref<!tpu.dma_semaphore, #tpu.memory_space<semaphore_mem>>)
      %dma_wait3A = tpu.memref_slice %arg3[%mul3A_2] : memref<16384xi32, #tpu.memory_space<hbm>> -> memref<512xi32, #tpu.memory_space<hbm>>
      %dma_wait3A_15 = tpu.memref_slice %arg3[%mul3A_2] : memref<16384xi32, #tpu.memory_space<hbm>> -> memref<512xi32, #tpu.memory_space<hbm>>
      tpu.wait_dma2 semaphore(%run_scoped3A : memref<!tpu.dma_semaphore, #tpu.memory_space<semaphore_mem>>) src(%dma_wait3A_15 : memref<512xi32, #tpu.memory_space<hbm>>) dst(%arg9 : memref<512xi32, #tpu.memory_space<vmem>>)
      tpu.yield
    }) : () -> ()
    "tpu.region"() ({
      %run_scoped3A = tpu.sem_alloc : memref<!tpu.dma_semaphore, #tpu.memory_space<semaphore_mem>>
      %dma_start3A = tpu.memref_slice %arg4[%mul3A_2] : memref<16384xi32, #tpu.memory_space<hbm>> -> memref<512xi32, #tpu.memory_space<hbm>>
      %dma_start3A_14 = tpu.memref_slice %arg4[%mul3A_2] : memref<16384xi32, #tpu.memory_space<hbm>> -> memref<512xi32, #tpu.memory_space<hbm>>
      tpu.enqueue_dma source(%dma_start3A_14 : memref<512xi32, #tpu.memory_space<hbm>>) target(%arg10 : memref<512xi32, #tpu.memory_space<vmem>>) target_semaphore(%run_scoped3A : memref<!tpu.dma_semaphore, #tpu.memory_space<semaphore_mem>>)
      %dma_wait3A = tpu.memref_slice %arg4[%mul3A_2] : memref<16384xi32, #tpu.memory_space<hbm>> -> memref<512xi32, #tpu.memory_space<hbm>>
      %dma_wait3A_15 = tpu.memref_slice %arg4[%mul3A_2] : memref<16384xi32, #tpu.memory_space<hbm>> -> memref<512xi32, #tpu.memory_space<hbm>>
      tpu.wait_dma2 semaphore(%run_scoped3A : memref<!tpu.dma_semaphore, #tpu.memory_space<semaphore_mem>>) src(%dma_wait3A_15 : memref<512xi32, #tpu.memory_space<hbm>>) dst(%arg10 : memref<512xi32, #tpu.memory_space<vmem>>)
      tpu.yield
    }) : () -> ()
    %iota3A = tpu.iota {dimensions = array<i32: 0>} : vector<16xi32>
    %scan3A = arith.constant 0 : i32
    %scan3A_3 = arith.constant 0 : i32
    %scan3A_4 = arith.constant 32 : i32
    %scan3A_5 = arith.addi %scan3A_3, %scan3A_4 : i32
    %scan3A_6 = arith.constant 1 : i32
    scf.for %scan3A_14 = %scan3A_3 to %scan3A_5 step %scan3A_6  : i32 {
      %mul3A_15 = arith.constant 16 : i32
      %mul3A_16 = arith.muli %scan3A_14, %mul3A_15 : i32
      %get3A = arith.index_cast %mul3A_16 : i32 to index
      %get3A_17 = tpu.vector_load %arg8[%get3A] {strides = array<i32>} : memref<512xi32, #tpu.memory_space<vmem>>, vector<16xi32>,
      %shift_right_logical3A = arith.constant 1 : i32
      %shift_right_logical3A_18 = vector.broadcast %shift_right_logical3A : i32 to vector<16xi32>
      %shift_right_logical3A_19 = arith.shrui %get3A_17, %shift_right_logical3A_18 : vector<16xi32>
      %swap3A = arith.index_cast %mul3A_16 : i32 to index
      %swap3A_20 = tpu.vector_load %arg11[%swap3A] {strides = array<i32>} : memref<512xi32, #tpu.memory_space<vmem>>, vector<16xi32>,
      tpu.vector_store %arg11[%swap3A], %shift_right_logical3A_19 {strides = array<i32>} : memref<512xi32, #tpu.memory_space<vmem>>, vector<16xi32>,
      %get3A_21 = arith.index_cast %mul3A_16 : i32 to index
      %get3A_22 = tpu.vector_load %arg9[%get3A_21] {strides = array<i32>} : memref<512xi32, #tpu.memory_space<vmem>>, vector<16xi32>,
      %shift_right_logical3A_23 = arith.constant 1 : i32
      %shift_right_logical3A_24 = vector.broadcast %shift_right_logical3A_23 : i32 to vector<16xi32>
      %shift_right_logical3A_25 = arith.shrui %get3A_22, %shift_right_logical3A_24 : vector<16xi32>
      %swap3A_26 = arith.index_cast %mul3A_16 : i32 to index
      %swap3A_27 = tpu.vector_load %arg12[%swap3A_26] {strides = array<i32>} : memref<512xi32, #tpu.memory_space<vmem>>, vector<16xi32>,
      tpu.vector_store %arg12[%swap3A_26], %shift_right_logical3A_25 {strides = array<i32>} : memref<512xi32, #tpu.memory_space<vmem>>, vector<16xi32>,
      %get3A_28 = arith.index_cast %mul3A_16 : i32 to index
      %get3A_29 = tpu.vector_load %arg10[%get3A_28] {strides = array<i32>} : memref<512xi32, #tpu.memory_space<vmem>>, vector<16xi32>,
      %shift_right_logical3A_30 = arith.constant 1 : i32
      %shift_right_logical3A_31 = vector.broadcast %shift_right_logical3A_30 : i32 to vector<16xi32>
      %shift_right_logical3A_32 = arith.shrui %get3A_29, %shift_right_logical3A_31 : vector<16xi32>
      %swap3A_33 = arith.index_cast %mul3A_16 : i32 to index
      %swap3A_34 = tpu.vector_load %arg13[%swap3A_33] {strides = array<i32>} : memref<512xi32, #tpu.memory_space<vmem>>, vector<16xi32>,
      tpu.vector_store %arg13[%swap3A_33], %shift_right_logical3A_32 {strides = array<i32>} : memref<512xi32, #tpu.memory_space<vmem>>, vector<16xi32>,
    }
    %scan3A_7 = arith.constant 32 : i32
    %scan3A_8 = arith.constant 0 : i32
    %scan3A_9 = arith.constant 0 : i32
    %scan3A_10 = arith.constant 4 : i32
    %scan3A_11 = arith.addi %scan3A_9, %scan3A_10 : i32
    %scan3A_12 = arith.constant 1 : i32
    scf.for %scan3A_14 = %scan3A_9 to %scan3A_11 step %scan3A_12  : i32 {
      %mul3A_15 = arith.constant 128 : i32
      %mul3A_16 = arith.muli %scan3A_14, %mul3A_15 : i32
      %dma_start3A = tpu.memref_slice %arg11[%mul3A_16] : memref<512xi32, #tpu.memory_space<vmem>> -> memref<128xi32, #tpu.memory_space<vmem>>
      %dma_start3A_17 = arith.constant 0 : i32
      %dma_start3A_18 = arith.constant 0 : i32
      %dma_start3A_19 = tpu.memref_slice %arg5[%dma_start3A_17, %dma_start3A_18] : memref<500000x128xf32, #tpu.memory_space<hbm>> -> memref<500000x128xf32, #tpu.memory_space<hbm>>
      tpu.enqueue_indirect_dma source(%dma_start3A_19 : memref<500000x128xf32, #tpu.memory_space<hbm>>) target(%arg14 : memref<128x128xf32, #tpu.memory_space<vmem>>) offsets(%dma_start3A : memref<128xi32, #tpu.memory_space<vmem>>) semaphore(%arg18 : memref<!tpu.dma_semaphore, #tpu.memory_space<semaphore_mem>>)
      %dma_start3A_20 = tpu.memref_slice %arg12[%mul3A_16] : memref<512xi32, #tpu.memory_space<vmem>> -> memref<128xi32, #tpu.memory_space<vmem>>
      %dma_start3A_21 = arith.constant 0 : i32
      %dma_start3A_22 = arith.constant 0 : i32
      %dma_start3A_23 = tpu.memref_slice %arg5[%dma_start3A_21, %dma_start3A_22] : memref<500000x128xf32, #tpu.memory_space<hbm>> -> memref<500000x128xf32, #tpu.memory_space<hbm>>
      tpu.enqueue_indirect_dma source(%dma_start3A_23 : memref<500000x128xf32, #tpu.memory_space<hbm>>) target(%arg15 : memref<128x128xf32, #tpu.memory_space<vmem>>) offsets(%dma_start3A_20 : memref<128xi32, #tpu.memory_space<vmem>>) semaphore(%arg18 : memref<!tpu.dma_semaphore, #tpu.memory_space<semaphore_mem>>)
      %dma_start3A_24 = tpu.memref_slice %arg13[%mul3A_16] : memref<512xi32, #tpu.memory_space<vmem>> -> memref<128xi32, #tpu.memory_space<vmem>>
      %dma_start3A_25 = arith.constant 0 : i32
      %dma_start3A_26 = arith.constant 0 : i32
      %dma_start3A_27 = tpu.memref_slice %arg6[%dma_start3A_25, %dma_start3A_26] : memref<500x128xf32, #tpu.memory_space<hbm>> -> memref<500x128xf32, #tpu.memory_space<hbm>>
      tpu.enqueue_indirect_dma source(%dma_start3A_27 : memref<500x128xf32, #tpu.memory_space<hbm>>) target(%arg16 : memref<128x128xf32, #tpu.memory_space<vmem>>) offsets(%dma_start3A_24 : memref<128xi32, #tpu.memory_space<vmem>>) semaphore(%arg18 : memref<!tpu.dma_semaphore, #tpu.memory_space<semaphore_mem>>)
      %dma_wait3A = tpu.memref_slice %arg11[%mul3A_16] : memref<512xi32, #tpu.memory_space<vmem>> -> memref<128xi32, #tpu.memory_space<vmem>>
      %dma_wait3A_28 = arith.constant 0 : i32
      %dma_wait3A_29 = arith.constant 0 : i32
      %dma_wait3A_30 = tpu.memref_slice %arg5[%dma_wait3A_28, %dma_wait3A_29] : memref<500000x128xf32, #tpu.memory_space<hbm>> -> memref<500000x128xf32, #tpu.memory_space<hbm>>
      tpu.wait_indirect_dma semaphore(%arg18 : memref<!tpu.dma_semaphore, #tpu.memory_space<semaphore_mem>>) src(%dma_wait3A_30 : memref<500000x128xf32, #tpu.memory_space<hbm>>) dst(%arg14 : memref<128x128xf32, #tpu.memory_space<vmem>>)
      %dma_wait3A_31 = tpu.memref_slice %arg12[%mul3A_16] : memref<512xi32, #tpu.memory_space<vmem>> -> memref<128xi32, #tpu.memory_space<vmem>>
      %dma_wait3A_32 = arith.constant 0 : i32
      %dma_wait3A_33 = arith.constant 0 : i32
      %dma_wait3A_34 = tpu.memref_slice %arg5[%dma_wait3A_32, %dma_wait3A_33] : memref<500000x128xf32, #tpu.memory_space<hbm>> -> memref<500000x128xf32, #tpu.memory_space<hbm>>
      tpu.wait_indirect_dma semaphore(%arg18 : memref<!tpu.dma_semaphore, #tpu.memory_space<semaphore_mem>>) src(%dma_wait3A_34 : memref<500000x128xf32, #tpu.memory_space<hbm>>) dst(%arg15 : memref<128x128xf32, #tpu.memory_space<vmem>>)
      %dma_wait3A_35 = tpu.memref_slice %arg13[%mul3A_16] : memref<512xi32, #tpu.memory_space<vmem>> -> memref<128xi32, #tpu.memory_space<vmem>>
      %dma_wait3A_36 = arith.constant 0 : i32
      %dma_wait3A_37 = arith.constant 0 : i32
      %dma_wait3A_38 = tpu.memref_slice %arg6[%dma_wait3A_36, %dma_wait3A_37] : memref<500x128xf32, #tpu.memory_space<hbm>> -> memref<500x128xf32, #tpu.memory_space<hbm>>
      tpu.wait_indirect_dma semaphore(%arg18 : memref<!tpu.dma_semaphore, #tpu.memory_space<semaphore_mem>>) src(%dma_wait3A_38 : memref<500x128xf32, #tpu.memory_space<hbm>>) dst(%arg16 : memref<128x128xf32, #tpu.memory_space<vmem>>)
      %scan3A_39 = arith.constant 0 : i32
      %scan3A_40 = arith.constant 0 : i32
      %scan3A_41 = arith.constant 8 : i32
      %scan3A_42 = arith.addi %scan3A_40, %scan3A_41 : i32
      %scan3A_43 = arith.constant 1 : i32
      scf.for %scan3A_45 = %scan3A_40 to %scan3A_42 step %scan3A_43  : i32 {
        %mul3A_46 = arith.constant 16 : i32
        %mul3A_47 = arith.muli %scan3A_45, %mul3A_46 : i32
        %add3A_48 = vector.broadcast %mul3A_47 : i32 to vector<16xi32>
        %add3A_49 = arith.addi %add3A_48, %iota3A : vector<16xi32>
        %mul3A_50 = arith.constant 128 : i32
        %mul3A_51 = arith.muli %scan3A_14, %mul3A_50 : i32
        %mul3A_52 = arith.constant 16 : i32
        %mul3A_53 = arith.muli %scan3A_45, %mul3A_52 : i32
        %add3A_54 = arith.addi %mul3A_51, %mul3A_53 : i32
        %get3A = arith.index_cast %add3A_54 : i32 to index
        %get3A_55 = tpu.vector_load %arg8[%get3A] {strides = array<i32>} : memref<512xi32, #tpu.memory_space<vmem>>, vector<16xi32>,
        %and3A = arith.constant 1 : i32
        %and3A_56 = vector.broadcast %and3A : i32 to vector<16xi32>
        %and3A_57 = arith.andi %get3A_55, %and3A_56 : vector<16xi32>
        %mul3A_58 = arith.constant 64 : i32
        %mul3A_59 = vector.broadcast %mul3A_58 : i32 to vector<16xi32>
        %mul3A_60 = arith.muli %and3A_57, %mul3A_59 : vector<16xi32>
        %get3A_61 = arith.index_cast %add3A_54 : i32 to index
        %get3A_62 = tpu.vector_load %arg9[%get3A_61] {strides = array<i32>} : memref<512xi32, #tpu.memory_space<vmem>>, vector<16xi32>,
        %and3A_63 = arith.constant 1 : i32
        %and3A_64 = vector.broadcast %and3A_63 : i32 to vector<16xi32>
        %and3A_65 = arith.andi %get3A_62, %and3A_64 : vector<16xi32>
        %mul3A_66 = arith.constant 64 : i32
        %mul3A_67 = vector.broadcast %mul3A_66 : i32 to vector<16xi32>
        %mul3A_68 = arith.muli %and3A_65, %mul3A_67 : vector<16xi32>
        %get3A_69 = arith.index_cast %add3A_54 : i32 to index
        %get3A_70 = tpu.vector_load %arg10[%get3A_69] {strides = array<i32>} : memref<512xi32, #tpu.memory_space<vmem>>, vector<16xi32>,
        %and3A_71 = arith.constant 1 : i32
        %and3A_72 = vector.broadcast %and3A_71 : i32 to vector<16xi32>
        %and3A_73 = arith.andi %get3A_70, %and3A_72 : vector<16xi32>
        %mul3A_74 = arith.constant 64 : i32
        %mul3A_75 = vector.broadcast %mul3A_74 : i32 to vector<16xi32>
        %mul3A_76 = arith.muli %and3A_73, %mul3A_75 : vector<16xi32>
        %broadcast_in_dim3A = arith.constant 0.000000e+00 : f32
        %broadcast_in_dim3A_77 = vector.broadcast %broadcast_in_dim3A : f32 to vector<16xf32>
        %scan3A_78 = arith.constant 0 : i32
        %scan3A_79 = arith.constant 64 : i32
        %scan3A_80 = arith.addi %scan3A_78, %scan3A_79 : i32
        %scan3A_81 = arith.constant 1 : i32
        %scan3A_82 = scf.for %scan3A_117 = %scan3A_78 to %scan3A_80 step %scan3A_81 iter_args(%scan3A_118 = %broadcast_in_dim3A_77) -> (vector<16xf32>)  : i32 {
          %add3A_119 = vector.broadcast %scan3A_117 : i32 to vector<16xi32>
          %add3A_120 = arith.addi %mul3A_60, %add3A_119 : vector<16xi32>
          %gather3A = tpu.vector_load_idx %arg14[%add3A_49, %add3A_120] : memref<128x128xf32, #tpu.memory_space<vmem>>[vector<16xi32>, vector<16xi32>], vector<16xf32>,
          %add3A_121 = vector.broadcast %scan3A_117 : i32 to vector<16xi32>
          %add3A_122 = arith.addi %mul3A_76, %add3A_121 : vector<16xi32>
          %gather3A_123 = tpu.vector_load_idx %arg16[%add3A_49, %add3A_122] : memref<128x128xf32, #tpu.memory_space<vmem>>[vector<16xi32>, vector<16xi32>], vector<16xf32>,
          %add3A_124 = vector.broadcast %scan3A_117 : i32 to vector<16xi32>
          %add3A_125 = arith.addi %mul3A_68, %add3A_124 : vector<16xi32>
          %gather3A_126 = tpu.vector_load_idx %arg15[%add3A_49, %add3A_125] : memref<128x128xf32, #tpu.memory_space<vmem>>[vector<16xi32>, vector<16xi32>], vector<16xf32>,
          %add3A_127 = arith.addf %gather3A, %gather3A_123 : vector<16xf32>
          %sub3A_128 = arith.subf %add3A_127, %gather3A_126 : vector<16xf32>
          %mul3A_129 = arith.mulf %sub3A_128, %sub3A_128 : vector<16xf32>
          %add3A_130 = arith.addf %scan3A_118, %mul3A_129 : vector<16xf32>
          scf.yield %add3A_130 : vector<16xf32>
        }
        %scan3A_83 = arith.constant 64 : i32
        %add3A_84 = arith.constant 9.99999996E-13 : f32
        %add3A_85 = vector.broadcast %add3A_84 : f32 to vector<16xf32>
        %add3A_86 = arith.addf %scan3A_82, %add3A_85 : vector<16xf32>
        %bitcast_convert_type3A = tpu.bitcast %add3A_86 : vector<16xf32> -> vector<16xi32>
        %shift_right_arithmetic3A = arith.constant 1 : i32
        %shift_right_arithmetic3A_87 = vector.broadcast %shift_right_arithmetic3A : i32 to vector<16xi32>
        %shift_right_arithmetic3A_88 = arith.shrsi %bitcast_convert_type3A, %shift_right_arithmetic3A_87 : vector<16xi32>
        %sub3A = arith.constant 1597463007 : i32
        %sub3A_89 = vector.broadcast %sub3A : i32 to vector<16xi32>
        %sub3A_90 = arith.subi %sub3A_89, %shift_right_arithmetic3A_88 : vector<16xi32>
        %bitcast_convert_type3A_91 = tpu.bitcast %sub3A_90 : vector<16xi32> -> vector<16xf32>
        %mul3A_92 = arith.constant 5.000000e-01 : f32
        %mul3A_93 = vector.broadcast %mul3A_92 : f32 to vector<16xf32>
        %mul3A_94 = arith.mulf %mul3A_93, %add3A_86 : vector<16xf32>
        %mul3A_95 = arith.mulf %mul3A_94, %bitcast_convert_type3A_91 : vector<16xf32>
        %mul3A_96 = arith.mulf %mul3A_95, %bitcast_convert_type3A_91 : vector<16xf32>
        %sub3A_97 = arith.constant 1.500000e+00 : f32
        %sub3A_98 = vector.broadcast %sub3A_97 : f32 to vector<16xf32>
        %sub3A_99 = arith.subf %sub3A_98, %mul3A_96 : vector<16xf32>
        %mul3A_100 = arith.mulf %bitcast_convert_type3A_91, %sub3A_99 : vector<16xf32>
        %mul3A_101 = arith.mulf %mul3A_94, %mul3A_100 : vector<16xf32>
        %mul3A_102 = arith.mulf %mul3A_101, %mul3A_100 : vector<16xf32>
        %sub3A_103 = arith.constant 1.500000e+00 : f32
        %sub3A_104 = vector.broadcast %sub3A_103 : f32 to vector<16xf32>
        %sub3A_105 = arith.subf %sub3A_104, %mul3A_102 : vector<16xf32>
        %mul3A_106 = arith.mulf %mul3A_100, %sub3A_105 : vector<16xf32>
        %mul3A_107 = arith.mulf %mul3A_94, %mul3A_106 : vector<16xf32>
        %mul3A_108 = arith.mulf %mul3A_107, %mul3A_106 : vector<16xf32>
        %sub3A_109 = arith.constant 1.500000e+00 : f32
        %sub3A_110 = vector.broadcast %sub3A_109 : f32 to vector<16xf32>
        %sub3A_111 = arith.subf %sub3A_110, %mul3A_108 : vector<16xf32>
        %mul3A_112 = arith.mulf %mul3A_106, %sub3A_111 : vector<16xf32>
        %mul3A_113 = arith.mulf %add3A_86, %mul3A_112 : vector<16xf32>
        %neg3A = arith.constant 0.000000e+00 : f32
        %neg3A_114 = vector.broadcast %neg3A : f32 to vector<16xf32>
        %neg3A_115 = arith.subf %neg3A_114, %mul3A_113 : vector<16xf32>
        %swap3A = arith.index_cast %add3A_54 : i32 to index
        %swap3A_116 = tpu.vector_load %arg17[%swap3A] {strides = array<i32>} : memref<512xf32, #tpu.memory_space<vmem>>, vector<16xf32>,
        tpu.vector_store %arg17[%swap3A], %neg3A_115 {strides = array<i32>} : memref<512xf32, #tpu.memory_space<vmem>>, vector<16xf32>,
      }
      %scan3A_44 = arith.constant 8 : i32
    }
    %scan3A_13 = arith.constant 4 : i32
    "tpu.region"() ({
      %run_scoped3A = tpu.sem_alloc : memref<!tpu.dma_semaphore, #tpu.memory_space<semaphore_mem>>
      %dma_start3A = tpu.memref_slice %arg7[%mul3A_2] : memref<16384xf32, #tpu.memory_space<hbm>> -> memref<512xf32, #tpu.memory_space<hbm>>
      %dma_start3A_14 = tpu.memref_slice %arg7[%mul3A_2] : memref<16384xf32, #tpu.memory_space<hbm>> -> memref<512xf32, #tpu.memory_space<hbm>>
      tpu.enqueue_dma source(%arg17 : memref<512xf32, #tpu.memory_space<vmem>>) target(%dma_start3A_14 : memref<512xf32, #tpu.memory_space<hbm>>) target_semaphore(%run_scoped3A : memref<!tpu.dma_semaphore, #tpu.memory_space<semaphore_mem>>)
      %dma_wait3A = tpu.memref_slice %arg7[%mul3A_2] : memref<16384xf32, #tpu.memory_space<hbm>> -> memref<512xf32, #tpu.memory_space<hbm>>
      %dma_wait3A_15 = tpu.memref_slice %arg7[%mul3A_2] : memref<16384xf32, #tpu.memory_space<hbm>> -> memref<512xf32, #tpu.memory_space<hbm>>
      tpu.wait_dma2 semaphore(%run_scoped3A : memref<!tpu.dma_semaphore, #tpu.memory_space<semaphore_mem>>) src(%arg17 : memref<512xf32, #tpu.memory_space<vmem>>) dst(%dma_wait3A_15 : memref<512xf32, #tpu.memory_space<hbm>>)
      tpu.yield
    }) : () -> ()
    return
  }
}

</mosaic_0001>

<sc_bundles>
// kernel: _score.3.cloned.1.call-start
scs
__scs_entry_jumppad:
0x0: {  	(pc) =	sbr.rel $0x88, $3  }
0x1: {  	(tag) =	ssettag $0x0;
	lr =	simm.s32 $0x1  }
0x2: {  	[smem:$0x3F9C] =	sst lr;
	_ =	strace $0xD0000000  }
0x3: {  	_ = 	snop  }
0x4: {  	_ = 	snop  }
0x5: {  	_ = 	snop  }
0x6: {  	_ = 	snop  }
0x7: {  	_ = 	snop  }
__scs_overlays_trampoline_lowered:
0x8: {  	[smem:$0x3FAB] =	sst s0  }
0x9: {  	[smem:$0x3FAC] =	sst s1  }
0xa: {  	[smem:$0x3FAD] =	sst s2  }
0xb: {  	[smem:$0x3FAE] =	sst s3  }
0xc: {  	[smem:$0x3FAF] =	sst s4  }
0xd: {  	[smem:$0x3FB0] =	sst s5  }
0xe: {  	[smem:$0x3FB1] =	sst s6  }
0xf: {  	[smem:$0x3FB2] =	sst s7  }
0x10: {  	[smem:$0x3FB3] =	sst s8  }
0x11: {  	[smem:$0x3FB4] =	sst s9;
	s0 =	simm.s32 @!p0 $0x0  }
0x12: {  	s1 =	sld [smem:$0x3F9A];
	s0 =	simm.s32 @p0 $0x1  }
0x13: {  	[smem:$0x3FB5] =	sst s0;
	s0 =	simm.s32 @!p1 $0x0  }
0x14: {  	s2 =	sld [smem:$0x3F99];
	s0 =	simm.s32 @p1 $0x1  }
0x15: {  	[smem:$0x3FB6] =	sst s0;
	s0 =	simm.s32 @!p2 $0x0  }
0x16: {  	s3 =	sld [smem:$0x3FDB];
	s0 =	simm.s32 @p2 $0x1  }
0x17: {  	s4 =	simm.s32 $0x1BF5;
	[smem:$0x3FB8] =	sst s0  }
0x18: {  	s0 =	sld [smem:$0x3F9B];
	_ =	swait.ge [sflag:s4], $0x0  }
0x19: {  	s7 =	sld [smem:$0x3F9C]  }
0x1a: {  	s8 =	sadd.s32 $0xFFFFE003, lr  }
0x1b: {  	s9 =	sadd.s32 $0xFFFFFEF7, lr;
	s5 =	simm.s32 $0xFFFFFFFF;
	p2 =	slt.u32 s8, $0xFFFFF086  }
0x1c: {  	p1 =	slt.u32 s9, $0xF7A;
	s5 =	simm.s32 @!p2 $0x0  }
0x1d: {  	s5 =	simm.s32 @p1 $0x1;
	p0 =	seq.s32 s7, s2  }
0x1e: {  	s7 =	smul.u32 @!p0 $0xF7A, s2;
	p2 =	seq.s32 @!p0 s5, $0x0  }
0x1f: {  	s9 =	smul.u32 $0xF7A, s1;
	s8 =	simm.s32 @!p0 $0x1BF5;
	p2 =	por !p2, p0  }
0x20: {  	[sflag:s8] =	ssyncset.s32 @!p0 $0xFFFFF086;
	s6 =	sadd.s32 @!p0 s3, s7;
	s7 =	simm.s32 @!p0 $0x108  }
0x21: {  	s3 =	sadd.s32 s3, s9;
	s6 =	sadd.s32 @!p0 $0x88, s6;
	s7 =	simm.s32 @p2 $0x1082  }
0x22: {  	[simem:s7], [sflag:s8] =	dma.local @!p0 [hbm:s6], $0xF7A  }
0x23: {  	s9 =	sor.u32 $0xD0000000, s2;
	s6 =	simm.s32 $0x108;
	_ =	swait.ge @!p0 [sflag:s8], $0x0  }
0x24: {  	s3 =	sadd.s32 $0x88, s3;
	s6 =	simm.s32 @!p1 $0x1082;
	[sflag:s4] =	ssyncset.s32 $0xFFFFF086  }
0x25: {  	[simem:s6], [sflag:s4] =	dma.local [hbm:s3], $0xF7A  }
0x26: {  	[smem:$0x3F9C] =	sst s1;
	(tag) =	ssettag s2;
	_ =	strace s9  }
0x27: {  	s1 =	sld [smem:$0x3FAC]  }
0x28: {  	s2 =	sld [smem:$0x3FAD]  }
0x29: {  	s4 =	sld [smem:$0x3FAF]  }
0x2a: {  	p0 =	seq.s32 s5, $0x0;
	s5 =	sld [smem:$0x3FB0]  }
0x2b: {  	s6 =	sld [smem:$0x3FB1]  }
0x2c: {  	s7 =	sld [smem:$0x3FB2]  }
0x2d: {  	s3 =	simm.s32 $0x108;
	s8 =	sld [smem:$0x3FB3]  }
0x2e: {  	s3 =	simm.s32 @!p0 $0x1082;
	s9 =	sld [smem:$0x3FB4]  }
0x2f: {  	lr =	sadd.s32 s0, s3;
	s0 =	sld [smem:$0x3FAB]  }
0x30: {  	s3 =	sld [smem:$0x3FAE]  }
0x31: {  	[smem:$0x3FB7] =	sst s10  }
0x32: {  	s10 =	sld [smem:$0x3FB5];
	_ =	sdelay $0x3  }
0x33: {  	p0 =	seq.s32 s10, $0x1;
	s10 =	sld [smem:$0x3FB7];
	_ =	sdelay $0x3  }
0x34: {  	[smem:$0x3FB7] =	sst s10  }
0x35: {  	s10 =	sld [smem:$0x3FB6];
	_ =	sdelay $0x3  }
0x36: {  	p1 =	seq.s32 s10, $0x1;
	s10 =	sld [smem:$0x3FB7];
	_ =	sdelay $0x3  }
0x37: {  	[smem:$0x3FB7] =	sst s10  }
0x38: {  	s10 =	sld [smem:$0x3FB8]  }
0x39: {  	_ = 	snop;
	(pc) =	sbr.ind lr, $3  }
0x3a: {  	_ = 	snop  }
0x3b: {  	_ = 	snop  }
0x3c: {  	p2 =	seq.s32 s10, $0x1;
	s10 =	sld [smem:$0x3FB7]  }
0x3d: {  	_ =	shalt  }
0x3e: {  	_ =	shalt  }
0x3f: {  	_ =	shalt  }
0x40: {  	_ =	shalt  }
0x41: {  	_ =	shalt  }
0x42: {  	_ =	shalt  }
0x43: {  	_ =	shalt  }
0x44: {  	_ =	shalt  }
0x45: {  	_ =	shalt  }
0x46: {  	_ =	shalt  }
0x47: {  	_ =	shalt  }
0x48: {  	_ =	shalt  }
0x49: {  	_ =	shalt  }
0x4a: {  	_ =	shalt  }
0x4b: {  	_ =	shalt  }
0x4c: {  	_ =	shalt  }
0x4d: {  	_ =	shalt  }
0x4e: {  	_ =	shalt  }
0x4f: {  	_ =	shalt  }
0x50: {  	_ =	shalt  }
0x51: {  	_ =	shalt  }
0x52: {  	_ =	shalt  }
0x53: {  	_ =	shalt  }
0x54: {  	_ =	shalt  }
0x55: {  	_ =	shalt  }
0x56: {  	_ =	shalt  }
0x57: {  	_ =	shalt  }
0x58: {  	_ =	shalt  }
0x59: {  	_ =	shalt  }
0x5a: {  	_ =	shalt  }
0x5b: {  	_ =	shalt  }
0x5c: {  	_ =	shalt  }
0x5d: {  	_ =	shalt  }
0x5e: {  	_ =	shalt  }
0x5f: {  	_ =	shalt  }
0x60: {  	_ =	shalt  }
0x61: {  	_ =	shalt  }
0x62: {  	_ =	shalt  }
0x63: {  	_ =	shalt  }
0x64: {  	_ =	shalt  }
0x65: {  	_ =	shalt  }
0x66: {  	_ =	shalt  }
0x67: {  	_ =	shalt  }
0x68: {  	_ =	shalt  }
0x69: {  	_ =	shalt  }
0x6a: {  	_ =	shalt  }
0x6b: {  	_ =	shalt  }
0x6c: {  	_ =	shalt  }
0x6d: {  	_ =	shalt  }
0x6e: {  	_ =	shalt  }
0x6f: {  	_ =	shalt  }
0x70: {  	_ =	shalt  }
0x71: {  	_ =	shalt  }
0x72: {  	_ =	shalt  }
0x73: {  	_ =	shalt  }
0x74: {  	_ =	shalt  }
0x75: {  	_ =	shalt  }
0x76: {  	_ =	shalt  }
0x77: {  	_ =	shalt  }
0x78: {  	_ =	shalt  }
0x79: {  	_ =	shalt  }
0x7a: {  	_ =	shalt  }
0x7b: {  	_ =	shalt  }
0x7c: {  	_ =	shalt  }
0x7d: {  	_ =	shalt  }
0x7e: {  	_ =	shalt  }
0x7f: {  	_ =	shalt  }
0x80: {  	_ =	shalt  }
0x81: {  	_ =	shalt  }
0x82: {  	_ =	shalt  }
0x83: {  	_ =	shalt  }
0x84: {  	_ =	shalt  }
0x85: {  	_ =	shalt  }
0x86: {  	_ =	shalt  }
0x87: {  	_ =	shalt  }
.Lfunc_end0:
.L_simem_size_0:
called_computation_lowered:
.L_overlay_start_0:
0x88: {  	s2 =	sld [smem:$0x3FD9]  }
0x89: {  	s3 =	sld [smem:$0x3FFE];
	_ =	sdelay $0x1  }
0x8a: {  	s1 =	srdreg.scid  }
0x8b: {  	s0 =	sand.u32 $0x1, s1  }
0x8c: {  	s17 =	sshll.u32 s0, $0xA;
	s2 =	sadd.s32 s3, s2  }
0x8d: {  	s2 =	sadd.s32 s2, s17  }
0x8e: {  	[smem:$0x3FC3] =	sst s2  }
0x8f: {  	_ = 	snop  }
0x90: {  	s2 =	sld [smem:$0x3FC9]  }
0x91: {  	s18 =	sld [smem:$0x3FC8]  }
0x92: {  	s4 =	sld [smem:$0x3FC7]  }
0x93: {  	s5 =	sld [smem:$0x3FD0];
	(tm) =	ssettm $0x1  }
0x94: {  	s6 =	sld [smem:$0x3FFB];
	_ =	sdelay $0x3  }
0x95: {  	_ =	strace s6  }
0x96: {  	s6 =	sld [smem:$0x3FFC];
	_ =	sdelay $0x3  }
0x97: {  	_ =	strace s6  }
0x98: {  	s6 =	sld [smem:$0x3FFD];
	_ =	sdelay $0x3  }
0x99: {  	_ =	strace s6  }
0x9a: {  	_ =	strace $0x8FFFFFFF  }
0x9b: {  	s19 =	sld [smem:$0x3FDB];
	_ =	sdelay $0x1  }
0x9c: {  	s7 =	simm.s32 $_scs_section_size  }
0x9d: {  	s8 =	simm.s32 $_size__tile_overlayer_lowered;
	s9 =	simm.s32 $_tile_overlayer_lowered  }
0x9e: {  	s22 =	simm.s32 $0x1BFF;
	s21 =	sshll.u32 s9, $0x1;
	s6 =	sadd.s32 s7, s19  }
0x9f: {  	s10 =	simm.s32 $0x0;
	s20 =	sshll.u32 s8, $0x1;
	s8 =	sadd.s32 s21, s6  }
0xa0: {  	[timem:s10], [sflag:s22] =	dma.local [hbm:s8], s20  }
0xa1: {  	_ =	swait.ge [sflag:s22], s20  }
0xa2: {  	s7 =	ssub.s32 $0x0, s20;
	[sflag:s22] =	ssyncset.done $0x0  }
0xa3: {  	[sflag:s22] =	ssyncadd.s32 s7;
	_ =	sdelay $0x1  }
0xa4: {  	s23 =	simm.s32 $0x1B8B  }
0xa5: {  	_ =	swait.ge [sflag:s23], $0x1  }
0xa6: {  	[sflag:s23] =	ssyncset.done $0x0  }
0xa7: {  	s25 =	simm.s32 $0x1B8E;
	s24 =	sld [smem:$0x3FFE];
	[sflag:s23] =	ssyncadd.s32 $0xFFFFFFFF  }
0xa8: {  	s26 =	simm.s32 $execute0_lowered;
	[smem:$0x3FD2] =	sst s25  }
0xa9: {  	s8 =	sshll.u32 s26, $0x1;
	_ =	strace $0x80000046;
	[dreg:$0x1] =	wrdreg $0xFFFFFFFF  }
0xaa: {  	s28 =	simm.s32 $_size_execute0_lowered;
	s6 =	sadd.s32 s6, s8;
	[dreg:$0x0] =	wrdreg $0x0  }
0xab: {  	s8 =	sshll.u32 s28, $0x1;
	[dreg:$0x2] =	wrdreg s6  }
0xac: {  	[dreg:$0x3] =	wrdreg s8  }
0xad: {  	[dreg:$0x4] =	wrdreg $0xC0  }
0xae: {  	_ =	task [dreg:s10], $0x5FFFF  }
0xaf: {  	[dreg:$0x1] =	wrdreg $0xFFFFFFFF  }
0xb0: {  	[dreg:$0x0] =	wrdreg $0x60  }
0xb1: {  	[dreg:$0x2] =	wrdreg s2  }
0xb2: {  	[dreg:$0x3] =	wrdreg s18  }
0xb3: {  	[dreg:$0x4] =	wrdreg s4  }
0xb4: {  	[dreg:$0x5] =	wrdreg s24  }
0xb5: {  	[dreg:$0x6] =	wrdreg s5  }
0xb6: {  	[dreg:$0x7] =	wrdreg $0x9  }
0xb7: {  	_ =	task.clear_ibuf [dreg:s10], $0x8FFFF;
	_ =	strace $0x90000046  }
0xb8: {  	s29 =	simm.s32 $0x9;
	_ =	strace $0x80000048  }
0xb9: {  	_ =	swait.ge [sflag:s29], $0x1  }
0xba: {  	[sflag:s29] =	ssyncadd.s32 $0xFFFFFFFF  }
0xbb: {  	_ =	strace $0x90000048  }
0xbc: {  	_ =	sfence  }
0xbd: {  	s30 =	sld [smem:$0x0];
	_ =	sdelay $0x2  }
0xbe: {  	s31 =	sshll.u32 s1, $0xD;
	s1 =	sshrl.u32 s1, $0x2  }
0xbf: {  	s3 =	sand.u32 $0x4000, s31;
	s1 =	sadd.s32 s1, s30  }
0xc0: {  	s0 =	sor.u32 s3, s0;
	s1 =	sshll.u32 s1, $0x11  }
0xc1: {  	s0 =	sor.u32 s1, s0  }
0xc2: {  	s0 =	sadd.s32 $0x8F2B, s0  }
0xc3: {  	[sflag:s0] =	ssyncadd.remote.s32 $0x1  }
0xc4: {  	_ =	sfence.sel $0xFFFF  }
0xc5: {  	[dreg:$0x0] =	wrdreg $0xFFFFFFFF;
	(pc) =	sbr.abs _section_cstart, $3  }
0xc6: {  	[dreg:$0x1] =	wrdreg $0xFFFFFFFF  }
0xc7: {  	_ =	task.clear_ibuf [dreg:s10], $0x2FFFF;
	_ =	strace $0x9FFFFFFF  }
0xc8: {  	(tm) =	ssettm $0x7FFFFFFF  }
0xc9: {  	_ =	shalt  }
tec
execute0_lowered:
.L_overlay_start_1:
0x0: {  	(tag) =	ssettag $0x1  }
0x1: {  	s5 =	rddreg [dreg:$0x0]  }
0x2: {  	s6 =	rddreg [dreg:$0x1]  }
0x3: {  	s7 =	rddreg [dreg:$0x2]  }
0x4: {  	s4 =	rddreg [dreg:$0x3]  }
0x5: {  	s8 =	rddreg [dreg:$0x4]  }
0x6: {  	s0 =	rddreg [dreg:$0x5];
	s1 =	simm.s32 $0x0;
	s2 =	srdreg.scid  }
0x7: {  	s13 =	simm.s32 $0x80;
	s14 =	simm.s32 $0xC00;
	s15 =	simm.s32 $0x4C00  }
0x8: {  	s16 =	simm.s32 $0x8C00;
	s17 =	simm.s32 $0x1;
	s18 =	simm.s32 $0xCC00  }
0x9: {  	s19 =	simm.s32 $0x0;
	[smem:$0x7FF] =	sst s1;
	s9 =	sand.u32 $0x1, s2  }
0xa: {  	s3 =	sadd.s32 $0xF42A00, s4;
	s2 =	stileid.u32;
	s4 =	sadd.s32 $0x600, s4  }
0xb: {  	s10 =	ssub.s32 $0x2, s9;
	s12 =	sshll.u32 s2, $0x7;
	s9 =	sshll.u32 s9, $0x6  }
0xc: {  	_ =	strace $0x80000047;
	s11 =	sshrl.u32 s10, $0x1;
	s9 =	sor.u32 s9, s12  }
0xd: {  	s12 =	simm.s32 $0x400;
	s10 =	ssub.s32 s10, s11;
	s5 =	sadd.s32 s5, s9  }
0xe: {  	v0 =	vlaneseq.u32;
	s6 =	sadd.s32 s6, s9;
	s7 =	sadd.s32 s7, s9;
	s8 =	sadd.s32 s8, s9  }
0xf: {  	v0 =	vmul.u32 $0x80, v0;
	s11 =	simm.s32 $0x200;
	s9 =	smax.u32 s10, $0x1;
	s10 =	simm.s32 $0x2  }
.LBB2_1:
0x10: {  	[tilespmem:s1], [sflag:$0x2] =	stream.linear.gather [hbm4b:s5+s1], $0x200, $0x38;
	[tilespmem:$0xCE00] =	vst v63  }
0x11: {  	_ =	swait.ge [sflag:s10], $0x200  }
0x12: {  	[sflag:s10] =	ssyncset.done $0x0  }
0x13: {  	[sflag:s10] =	ssyncadd.s32 $0xFFFFFE00  }
0x14: {  	[tilespmem:s11], [sflag:$0x2] =	stream.linear.gather [hbm4b:s6+s1], $0x200, $0x38;
	[tilespmem:$0xCE00] =	vst v63  }
0x15: {  	_ =	swait.ge [sflag:s10], $0x200  }
0x16: {  	[sflag:s10] =	ssyncset.done $0x0  }
0x17: {  	[sflag:s10] =	ssyncadd.s32 $0xFFFFFE00  }
0x18: {  	[tilespmem:s12], [sflag:$0x2] =	stream.linear.gather [hbm4b:s7+s1], $0x200, $0x38;
	[tilespmem:$0xCE00] =	vst v63  }
0x19: {  	_ =	swait.ge [sflag:s10], $0x200  }
0x1a: {  	[sflag:s10] =	ssyncset.done $0x0  }
0x1b: {  	s21 =	simm.s32 $0x0;
	[sflag:s10] =	ssyncadd.s32 $0xFFFFFE00  }
0x1c: {  	v2 =	vld [tilespmem:s21+$0x400]  }
0x1d: {  	v3 =	vld [tilespmem:s21+$0x0]  }
0x1e: {  	s20 =	simm.s32 $0x40;
	v1 =	vld [tilespmem:s21+$0x200]  }
.LBB2_2:
0x1f: {  	p0 =	sne.s32 s20, $0x7C0  }
.Ltmp0:
0x20: {  	_ = 	snop;
	(pc) =	sbr.rel @p0 .LBB2_2-.Ltmp0, $4  }
0x21: {  	s22 =	sshra.s32 s20, $0x2;
	v4 =	vshrl.u32 v2, $0x1  }
0x22: {  	v2 =	vld [tilespmem:s22+$0x400];
	v5 =	vshrl.u32 v3, $0x1;
	[tilespmem:s21+$0xA00] =	vst v4  }
0x23: {  	v3 =	vld [tilespmem:s22+$0x0];
	[tilespmem:s21+$0x600] =	vst v5;
	v4 =	vshrl.u32 v1, $0x1  }
0x24: {  	s20 =	sadd.s32 $0x40, s20;
	v1 =	vld [tilespmem:s22+$0x200];
	[tilespmem:s21+$0x800] =	vst v4;
	s21 =	smov.u32 s22  }
0x25: {  	_ =	sdelay $0x1  }
0x26: {  	v2 =	vshrl.u32 v2, $0x1  }
0x27: {  	v3 =	vshrl.u32 v3, $0x1;
	[tilespmem:s21+$0xA00] =	vst v2  }
0x28: {  	[tilespmem:s21+$0x600] =	vst v3;
	v1 =	vshrl.u32 v1, $0x1  }
0x29: {  	s20 =	simm.s32 $0x0;
	[tilespmem:s21+$0x800] =	vst v1  }
.LBB2_4:
0x2a: {  	s21 =	sshll.u32 s20, $0x7  }
0x2b: {  	s22 =	sadd.s32 $0x600, s21  }
0x2c: {  	[tilespmem:s14], [sflag:$0x1] =	stream.indirect.gather [hbm4b:s3+s13], $0x80, s22, s13, $0xb8;
	[tilespmem:$0xCE00] =	vst v63  }
0x2d: {  	s30 =	sadd.s32 $0x800, s21  }
0x2e: {  	[tilespmem:s15], [sflag:$0x1] =	stream.indirect.gather [hbm4b:s3+s13], $0x80, s30, s13, $0xb8;
	[tilespmem:$0xCE00] =	vst v63  }
0x2f: {  	s31 =	sadd.s32 $0xA00, s21  }
0x30: {  	[tilespmem:s16], [sflag:$0x1] =	stream.indirect.gather [hbm4b:s4+s13], $0x80, s31, s13, $0xb8;
	[tilespmem:$0xCE00] =	vst v63  }
0x31: {  	_ =	swait.ge [sflag:s17], $0x4000  }
0x32: {  	[sflag:s17] =	ssyncset.done $0x0  }
0x33: {  	[sflag:s17] =	ssyncadd.s32 $0xFFFFC000  }
0x34: {  	_ =	swait.ge [sflag:s17], $0x4000  }
0x35: {  	[sflag:s17] =	ssyncset.done $0x0  }
0x36: {  	[sflag:s17] =	ssyncadd.s32 $0xFFFFC000  }
0x37: {  	_ =	swait.ge [sflag:s17], $0x4000  }
0x38: {  	[sflag:s17] =	ssyncset.done $0x0  }
0x39: {  	s22 =	simm.s32 $0x0;
	[sflag:s17] =	ssyncadd.s32 $0xFFFFC000  }
.LBB2_5:
0x3a: {  	s24 =	sshll.u32 s22, $0x4  }
0x3b: {  	s23 =	sor.u32 s21, s24  }
0x3c: {  	v1 =	vld [tilespmem:s23+$0x0]  }
0x3d: {  	v2 =	vld [tilespmem:s23+$0x400];
	_ =	sdelay $0x1  }
0x3e: {  	v3 =	vld [tilespmem:s23+$0x200]  }
0x3f: {  	v4 =	vmov s24  }
0x40: {  	v4 =	vshll.u32 v4, $0x7;
	v1 =	vshll.u32 v1, $0x6  }
0x41: {  	v4 =	vor.u32 v0, v4;
	v2 =	vshll.u32 v2, $0x6;
	v1 =	vand.u32 $0x40, v1  }
0x42: {  	s30 =	simm.s32 $0x0;
	v2 =	vand.u32 $0x40, v2;
	v1 =	vor.u32 v1, v4  }
0x43: {  	v3 =	vshll.u32 v3, $0x6;
	v2 =	vor.u32 v2, v4;
	v5 =	vor.u32 s30, v1  }
0x44: {  	v3 =	vand.u32 $0x40, v3;
	v6 =	vor.u32 s30, v2  }
0x45: {  	v3 =	vor.u32 v3, v4  }
0x46: {  	v4 =	vor.u32 s30, v3;
	_ =	sdelay $0x1  }
0x47: {  	s31 =	simm.s32 $0x1;
	v5 =	vld.idx.msk [tilespmem:v5+s14+$0x0], $0xffff  }
0x48: {  	v7 =	vor.u32 s31, v1;
	v6 =	vld.idx.msk [tilespmem:v6+s16+$0x0], $0xffff  }
0x49: {  	v8 =	vor.u32 s31, v2  }
0x4a: {  	v9 =	vor.u32 s31, v3;
	v4 =	vld.idx.msk [tilespmem:v4+s15+$0x0], $0xffff;
	_ =	sdelay $0x2  }
0x4b: {  	s25 =	simm.s32 $0x2;
	v10 =	vld.idx.msk [tilespmem:v7+s14+$0x0], $0xffff;
	v6 =	vadd.f32 v6, v5  }
0x4c: {  	v12 =	vor.u32 s25, v1;
	v5 =	vld.idx.msk [tilespmem:v8+s16+$0x0], $0xffff  }
0x4d: {  	v7 =	vsub.f32 v6, v4;
	v6 =	vld.idx.msk [tilespmem:v9+s15+$0x0], $0xffff;
	v9 =	vor.u32 s25, v2;
	_ =	sdelay $0x1  }
0x4e: {  	v8 =	vor.u32 s25, v3  }
0x4f: {  	v11 =	vmul.f32 v7, v7  }
0x50: {  	s24 =	simm.s32 $0x3;
	v4 =	vimm.f32 $0.0e+00;
	v7 =	vld.idx.msk [tilespmem:v12+s14+$0x0], $0xffff  }
.LBB2_6:
0x51: {  	v12 =	vor.u32 s24, v1;
	v10 =	vadd.f32 v5, v10;
	v5 =	vld.idx.msk [tilespmem:v9+s16+$0x0], $0xffff;
	v4 =	vadd.f32 v11, v4;
	s25 =	smov.u32 s24;
	p0 =	sne.s32 s24, $0x3F  }
.Ltmp1:
0x52: {  	s24 =	sadd.s32 $0x1, s24;
	v9 =	vor.u32 s25, v2;
	(pc) =	sbr.rel @p0 .LBB2_6-.Ltmp1, $4  }
0x53: {  	v13 =	vsub.f32 v10, v6;
	v6 =	vld.idx.msk [tilespmem:v8+s15+$0x0], $0xffff  }
0x54: {  	v8 =	vor.u32 s25, v3  }
0x55: {  	v11 =	vmul.f32 v13, v13  }
0x56: {  	v10 =	vmov v7;
	v7 =	vld.idx.msk [tilespmem:v12+s14+$0x0], $0xffff  }
0x57: {  	_ =	sdelay $0x3  }
0x58: {  	v1 =	vld.idx.msk [tilespmem:v9+s16+$0x0], $0xffff;
	_ =	sdelay $0x1  }
0x59: {  	v2 =	vld.idx.msk [tilespmem:v8+s15+$0x0], $0xffff  }
0x5a: {  	v3 =	vadd.f32 v5, v10;
	_ =	sdelay $0x1  }
0x5b: {  	v3 =	vsub.f32 v3, v6;
	v1 =	vadd.f32 v1, v7;
	_ =	sdelay $0x1  }
0x5c: {  	v4 =	vadd.f32 v11, v4;
	v3 =	vmul.f32 v3, v3;
	v1 =	vsub.f32 v1, v2;
	_ =	sdelay $0x1  }
0x5d: {  	v2 =	vadd.f32 v3, v4;
	v1 =	vmul.f32 v1, v1;
	_ =	sdelay $0x1  }
0x5e: {  	v1 =	vadd.f32 v1, v2;
	_ =	sdelay $0x1  }
0x5f: {  	v1 =	vadd.f32 $9.999999960e-13, v1;
	_ =	sdelay $0x1  }
0x60: {  	v2 =	vshra.s32 v1, $0x1;
	v3 =	vmul.f32 $5.000000000e-01, v1  }
0x61: {  	v2 =	vsub.s32 $0x5F3759DF, v2  }
0x62: {  	v63 =	vmul.f32 v2, v3;
	_ =	sdelay $0x1  }
0x63: {  	v4 =	vmul.f32 v2, v63;
	_ =	sdelay $0x1  }
0x64: {  	v4 =	vsub.f32 $1.500000000e+00, v4;
	_ =	sdelay $0x1  }
0x65: {  	v2 =	vmul.f32 v2, v4;
	_ =	sdelay $0x1  }
0x66: {  	v4 =	vmul.f32 v2, v3;
	_ =	sdelay $0x1  }
0x67: {  	v4 =	vmul.f32 v4, v2;
	_ =	sdelay $0x1  }
0x68: {  	v4 =	vsub.f32 $1.500000000e+00, v4;
	_ =	sdelay $0x1  }
0x69: {  	v2 =	vmul.f32 v4, v2;
	_ =	sdelay $0x1  }
0x6a: {  	v3 =	vmul.f32 v2, v3;
	_ =	sdelay $0x1  }
0x6b: {  	v3 =	vmul.f32 v3, v2;
	_ =	sdelay $0x1  }
0x6c: {  	v3 =	vsub.f32 $1.500000000e+00, v3;
	_ =	sdelay $0x1  }
0x6d: {  	s22 =	sadd.s32 $0x1, s22;
	v2 =	vmul.f32 v3, v2  }
0x6e: {  	p0 =	sne.s32 s22, $0x8  }
.Ltmp2:
0x6f: {  	v1 =	vmul.f32 v2, v1;
	(pc) =	sbr.rel @p0 .LBB2_5-.Ltmp2, $3  }
0x70: {  	_ = 	snop  }
0x71: {  	v1 =	vsub.f32 $0.0e+00, v1;
	_ =	sdelay $0x1  }
0x72: {  	[tilespmem:s23+$0xCC00] =	vst v1  }
0x73: {  	s20 =	sadd.s32 $0x1, s20  }
0x74: {  	p0 =	sne.s32 s20, $0x4  }
.Ltmp3:
0x75: {  	_ = 	snop;
	(pc) =	sbr.rel @p0 .LBB2_4-.Ltmp3, $1  }
0x76: {  	_ =	sdelay $0x3  }
0x77: {  	s19 =	sadd.s32 $0x1, s19  }
0x78: {  	p0 =	sne.s32 s19, s9  }
.Ltmp4:
0x79: {  	_ = 	snop;
	(pc) =	sbr.rel @p0 .LBB2_1-.Ltmp4, $4  }
0x7a: {  	[hbm4b:s8+s1] =	stream.linear.scatter [tilespmem:s18], [sflag:$0x2], $0x200, $0x38;
	[tilespmem:$0xCE00] =	vst v63  }
0x7b: {  	_ =	swait.ge [sflag:s10], $0x200  }
0x7c: {  	[sflag:s10] =	ssyncset.done $0x0  }
0x7d: {  	[sflag:s10] =	ssyncadd.s32 $0xFFFFFE00  }
0x7e: {  	_ =	sfence.sel $0x180000  }
0x7f: {  	[bflag:$0x0] =	sbarrier.arrive $0xFFFF  }
0x80: {  	p0 =	sne.s32 s2, $0x0;
	_ =	strace $0x90000047  }
0x81: {  	s0 =	sadd.s32 @!p0 $0x100000, s0;
	[bflag:$0x2] =	sbarrier.arrive $0xFFFF  }
0x82: {  	[sflag:s0] =	ssyncadd.tile.s32 @!p0 $0x1;
	_ =	shalt  }
.Lfunc_end2:
_tile_overlayer_lowered:
.L_overlay_start_2:
0x83: {  	(tag) =	ssettag $0x2  }
0x84: {  	s0 =	rddreg [dreg:$0x0];
	s2 =	stileid.u32  }
0x85: {  	s1 =	rddreg [dreg:$0x1];
	p0 =	sne.s32 s2, $0x0  }
0x86: {  	s3 =	rddreg [dreg:$0x2];
	[bflag:$0x3] =	sbarrier.arrive $0xFFFF;
	s2 =	simm.s32 @!p0 $0x1C02  }
0x87: {  	[timem:s3], [sflag:s2] =	dma.local @!p0 [hbm:s0], s1  }
0x88: {  	s0 =	simm.s32 @!p0 $0x2  }
0x89: {  	_ =	swait.ge @!p0 [sflag:s0], s1  }
0x8a: {  	s1 =	ssub.s32 @!p0 $0x0, s1;
	[sflag:s0] =	ssyncset.done @!p0 $0x0  }
0x8b: {  	[sflag:s0] =	ssyncadd.s32 @!p0 s1  }
0x8c: {  	[bflag:$0x3] =	sbarrier.arrive $0xFFFF  }
0x8d: {  	_ =	shalt  }

</sc_bundles>
